<compile_context>
chip_gen: v7x
topology: tpu7x:2x2x1
jax: 0.10.2.dev20260603
libtpu: 0.0.44.dev20260713+nightly
codegen_flags: <defaults>
</compile_context>

<pallas_src>
import functools

import jax
import jax.numpy as jnp
from jax import lax
from jax.experimental import pallas as pl
from jax.experimental.pallas import tpu as pltpu
from jax.experimental.pallas import tpu_sc as plsc

N_ATOMS_K = 100000
N_STRUCT_K = 1024
HID = 64
SOUT = 8

PAD_N = 102400
BLK = 2048
NBLK = PAD_N // BLK
OROW = BLK * SOUT // 128

TILES = 16
CHUNK = 128
NCH = PAD_N // TILES // CHUNK
OUT_PER_TILE = N_STRUCT_K // TILES
VALID_OROW = N_ATOMS_K * SOUT // 128


def _mlp_body(an_ref, pos_ref, emb_ref, wpos_ref, bc_ref,
              w1_ref, b1_ref, w2_ref, b2_ref, out_ref):
    an = an_ref[0, 0, :]
    oh = (an[:, None] == lax.broadcasted_iota(jnp.int32, (BLK, 128), 1)
          ).astype(jnp.bfloat16)
    hw = jnp.dot(oh, emb_ref[...], preferred_element_type=jnp.float32)
    h = hw + lax.dot_general(pos_ref[...], wpos_ref[...],
                             (((0,), (0,)), ((), ())),
                             preferred_element_type=jnp.float32)
    h = jnp.maximum(h + bc_ref[...], 0.0)
    sh = jnp.tanh(jnp.dot(h.astype(jnp.bfloat16), w1_ref[...],
                          preferred_element_type=jnp.float32) + b1_ref[...])
    s = jnp.dot(sh.astype(jnp.bfloat16), w2_ref[...],
                preferred_element_type=jnp.float32) + b2_ref[...]
    row = pl.program_id(0) * BLK + lax.broadcasted_iota(jnp.int32, (BLK, SOUT), 0)
    s = jnp.where(row < N_ATOMS_K, s, 0.0)
    out_ref[...] = jnp.concatenate(
        [s[128 * q:128 * (q + 1), :] for q in range(16)], axis=1)


def _per_node_stress(an3, posT, embw, wpos, bc, w1, b1, w2p, b2p):
    return pl.pallas_call(
        _mlp_body,
        grid=(NBLK,),
        in_specs=[
            pl.BlockSpec((1, 1, BLK), lambda i: (i, 0, 0)),
            pl.BlockSpec((3, BLK), lambda i: (0, i)),
            pl.BlockSpec((128, HID), lambda i: (0, 0)),
            pl.BlockSpec((3, HID), lambda i: (0, 0)),
            pl.BlockSpec((1, HID), lambda i: (0, 0)),
            pl.BlockSpec((HID, HID), lambda i: (0, 0)),
            pl.BlockSpec((1, HID), lambda i: (0, 0)),
            pl.BlockSpec((HID, SOUT), lambda i: (0, 0)),
            pl.BlockSpec((1, SOUT), lambda i: (0, 0)),
        ],
        out_specs=pl.BlockSpec((128, 128), lambda i: (i, 0)),
        out_shape=jax.ShapeDtypeStruct((PAD_N * SOUT // 128, 128), jnp.float32),
    )(an3, posT, embw, wpos, bc, w1, b1, w2p, b2p)


def _segment_sum_sc(s_rows, idx3, zeros):
    mesh = plsc.VectorSubcoreMesh(core_axis_name="c", subcore_axis_name="s",
                                  num_cores=1)

    @functools.partial(
        pl.kernel,
        out_type=jax.ShapeDtypeStruct((N_STRUCT_K, SOUT), jnp.float32),
        mesh=mesh,
        scratch_types=[
            pltpu.VMEM((NCH, CHUNK), jnp.int32),
            pltpu.VMEM((NCH, CHUNK, SOUT), jnp.float32),
            pltpu.VMEM_SHARED((N_STRUCT_K, SOUT), jnp.float32),
            pltpu.SemaphoreType.DMA,
        ],
        compiler_params=pltpu.CompilerParams(use_tc_tiling_on_sc=False),
    )
    def seg(s_hbm, idx_hbm, z_hbm, out_hbm, idx_v, rows_v, shared, sem):
        sid = lax.axis_index("s")
        z0 = sid * OUT_PER_TILE
        pltpu.sync_copy(z_hbm.at[pl.ds(z0, OUT_PER_TILE)],
                        shared.at[pl.ds(z0, OUT_PER_TILE)])
        pltpu.sync_copy(idx_hbm.at[sid], idx_v)
        pltpu.sync_copy(s_hbm.at[sid], rows_v)
        plsc.subcore_barrier()

        def fire(j, carry):
            pltpu.async_copy(rows_v.at[j], shared.at[idx_v.at[j]], sem,
                             add=True)
            return carry

        lax.fori_loop(0, NCH, fire, 0)
        pltpu.make_async_copy(s_hbm.at[sid], rows_v, sem).wait()
        plsc.subcore_barrier()
        pltpu.sync_copy(shared.at[pl.ds(z0, OUT_PER_TILE)],
                        out_hbm.at[pl.ds(z0, OUT_PER_TILE)])

    return seg(s_rows, idx3, zeros)


def kernel(atomic_numbers, pos, structure_index, emb_table, W_comb, b_comb,
           W1, b1, W2, b2):
    pad = PAD_N - atomic_numbers.shape[0]
    an3 = jnp.pad(atomic_numbers.astype(jnp.int32), (0, pad)).reshape(
        NBLK, 1, BLK)
    posT = jnp.pad(pos.T, ((0, 0), (0, pad)))
    idx3 = (jnp.pad(structure_index.astype(jnp.int32), (0, pad))
            .reshape(NBLK, 16, 128).swapaxes(1, 2)
            .reshape(TILES, NCH, CHUNK))
    emb_pad = jnp.pad(emb_table, ((0, 128 - emb_table.shape[0]), (0, 0)))
    embw = (emb_pad @ W_comb[:32, :]).astype(jnp.bfloat16)
    wpos = W_comb[32:, :] * 0.1
    bc = b_comb[None, :]
    b1r = b1[None, :]
    w2p = jnp.pad(W2, ((0, 0), (0, SOUT - W2.shape[1])))
    b2p = jnp.pad(b2, (0, SOUT - b2.shape[0]))[None, :]

    s_pn = _per_node_stress(an3, posT, embw, wpos, bc,
                            W1.astype(jnp.bfloat16), b1r,
                            w2p.astype(jnp.bfloat16), b2p)
    zeros = jnp.zeros((N_STRUCT_K, SOUT), jnp.float32)
    stress = _segment_sum_sc(s_pn.reshape(TILES, NCH, CHUNK, SOUT), idx3, zeros)
    return stress[:, :6]

# --- scband reference (transcript-rebuilt; emitter-appended) ---
"""Pipeline reference for scband-gem-net-s2-ef-74637941670061 (READ-ONLY COPY).

The authoritative reference and input builder live on the scoring server;
editing this copy changes nothing except your own understanding.
"""

import jax, jax.numpy as jnp
import numpy as np

N_ATOMS = 100000
N_STRUCT = 1024
NUM_ATOM_TYPES = 119
HIDDEN = 64
EMB_DIM = HIDDEN // 2  # 32
COMB_IN = EMB_DIM + 3  # 35


def setup_inputs(seed: int = 0) -> dict:
    key = jax.random.key(seed)
    ks = jax.random.split(key, 10)
    atomic_numbers = jax.random.randint(ks[0], (N_ATOMS,), 0, NUM_ATOM_TYPES)
    pos = jax.random.normal(ks[1], (N_ATOMS, 3), dtype=jnp.float32)
    structure_index = jnp.sort(jax.random.randint(ks[2], (N_ATOMS,), 0, N_STRUCT))
    emb_table = jax.random.normal(ks[3], (NUM_ATOM_TYPES, EMB_DIM), dtype=jnp.float32)
    W_comb = jax.random.normal(ks[4], (COMB_IN, HIDDEN), dtype=jnp.float32) * (1.0 / np.sqrt(COMB_IN))
    b_comb = jnp.zeros((HIDDEN,), dtype=jnp.float32)
    W1 = jax.random.normal(ks[5], (HIDDEN, HIDDEN), dtype=jnp.float32) * (1.0 / np.sqrt(HIDDEN))
    b1 = jnp.zeros((HIDDEN,), dtype=jnp.float32)
    W2 = jax.random.normal(ks[6], (HIDDEN, 6), dtype=jnp.float32) * (1.0 / np.sqrt(HIDDEN))
    b2 = jnp.zeros((6,), dtype=jnp.float32)
    return {
        "atomic_numbers": atomic_numbers,
        "pos": pos,
        "structure_index": structure_index,
        "emb_table": emb_table,
        "W_comb": W_comb,
        "b_comb": b_comb,
        "W1": W1,
        "b1": b1,
        "W2": W2,
        "b2": b2,
    }


def reference(atomic_numbers, pos, structure_index, emb_table, W_comb, b_comb, W1, b1, W2, b2):
    # atom_emb = self.atom_embedding(batch.atomic_numbers)
    atom_emb = jnp.take(emb_table, atomic_numbers, axis=0)
    # pos_normalized = batch.pos * 0.1
    pos_normalized = pos * 0.1
    # combined = cat([atom_emb, pos_normalized], dim=1)
    combined = jnp.concatenate([atom_emb, pos_normalized], axis=1)
    # h = relu(feature_combiner(combined))
    h = jnp.maximum(combined @ W_comb + b_comb, 0.0)
    # stress_head: Linear -> Tanh -> Linear
    s_hidden = jnp.tanh(h @ W1 + b1)
    s_per_node = s_hidden @ W2 + b2
    # stress = scatter(s_per_node, structure_index, dim=0, reduce='add')
    stress = jax.ops.segment_sum(s_per_node, structure_index, num_segments=N_STRUCT)
    return stress

if __name__ == "__main__":
    import jax
    _d = setup_inputs()
    print(jax.jit(kernel)(*tuple(_d.values())))

</pallas_src>

<mosaic_0001>
#map = affine_map<(d0, d1) -> (0, 0, 0, 0)>
#map1 = affine_map<(d0, d1) -> (0, 0, 0)>
#map2 = affine_map<(d0, d1) -> (0, 0)>
module attributes {stable_mosaic.version = 14 : i64} {
  func.func @seg(%arg0: i32, %arg1: i32, %arg2: memref<16x50x128x8xf32, #tpu.memory_space<hbm>>, %arg3: memref<16x50x128xi32, #tpu.memory_space<hbm>>, %arg4: memref<1024x8xf32, #tpu.memory_space<hbm>>, %arg5: memref<1024x8xf32, #tpu.memory_space<hbm>>, %arg6: memref<50x128xi32, #tpu.memory_space<vmem>>, %arg7: memref<50x128x8xf32, #tpu.memory_space<vmem>>, %arg8: memref<1024x8xf32, #tpu.memory_space<vmem_shared>>, %arg9: memref<!tpu.dma_semaphore, #tpu.memory_space<semaphore_mem>>) attributes {dimension_semantics = [#tpu.dimension_semantics<core_parallel>, #tpu.dimension_semantics<subcore_parallel>], iteration_bounds = array<i64: 1, 16>, scalar_prefetch = 0 : i64, scratch_operands = 4 : i64, tpu.core_type = #tpu.core_type<sc_vector_subcore>, window_params = [{transform_indices = #map}, {transform_indices = #map1}, {transform_indices = #map2}, {transform_indices = #map2}]} {
    %mul3A = arith.constant 64 : i32
    %mul3A_0 = arith.muli %arg1, %mul3A : i32
    "tpu.region"() ({
      %run_scoped3A = tpu.sem_alloc : memref<!tpu.dma_semaphore, #tpu.memory_space<semaphore_mem>>
      %dma_start3A = arith.constant 0 : i32
      %dma_start3A_16 = tpu.memref_slice %arg8[%mul3A_0, %dma_start3A] : memref<1024x8xf32, #tpu.memory_space<vmem_shared>> -> memref<64x8xf32, #tpu.memory_space<vmem_shared>>
      %dma_start3A_17 = arith.constant 0 : i32
      %dma_start3A_18 = tpu.memref_slice %arg4[%mul3A_0, %dma_start3A_17] : memref<1024x8xf32, #tpu.memory_space<hbm>> -> memref<64x8xf32, #tpu.memory_space<hbm>>
      tpu.enqueue_dma source(%dma_start3A_18 : memref<64x8xf32, #tpu.memory_space<hbm>>) target(%dma_start3A_16 : memref<64x8xf32, #tpu.memory_space<vmem_shared>>) target_semaphore(%run_scoped3A : memref<!tpu.dma_semaphore, #tpu.memory_space<semaphore_mem>>)
      %dma_wait3A_19 = arith.constant 0 : i32
      %dma_wait3A_20 = tpu.memref_slice %arg8[%mul3A_0, %dma_wait3A_19] : memref<1024x8xf32, #tpu.memory_space<vmem_shared>> -> memref<64x8xf32, #tpu.memory_space<vmem_shared>>
      %dma_wait3A_21 = arith.constant 0 : i32
      %dma_wait3A_22 = tpu.memref_slice %arg4[%mul3A_0, %dma_wait3A_21] : memref<1024x8xf32, #tpu.memory_space<hbm>> -> memref<64x8xf32, #tpu.memory_space<hbm>>
      tpu.wait_dma2 semaphore(%run_scoped3A : memref<!tpu.dma_semaphore, #tpu.memory_space<semaphore_mem>>) src(%dma_wait3A_22 : memref<64x8xf32, #tpu.memory_space<hbm>>) dst(%dma_wait3A_20 : memref<64x8xf32, #tpu.memory_space<vmem_shared>>)
      tpu.yield
    }) : () -> ()
    "tpu.region"() ({
      %run_scoped3A = tpu.sem_alloc : memref<!tpu.dma_semaphore, #tpu.memory_space<semaphore_mem>>
      %dma_start3A = arith.constant 0 : i32
      %dma_start3A_16 = arith.constant 0 : i32
      %dma_start3A_17 = tpu.memref_slice %arg3[%arg1, %dma_start3A, %dma_start3A_16] : memref<16x50x128xi32, #tpu.memory_space<hbm>> -> memref<1x50x128xi32, #tpu.memory_space<hbm>>
      %dma_start3A_18 = tpu.memref_squeeze %dma_start3A_17 : memref<1x50x128xi32, #tpu.memory_space<hbm>> -> memref<50x128xi32, #tpu.memory_space<hbm>>
      %dma_start3A_19 = arith.constant 0 : i32
      %dma_start3A_20 = arith.constant 0 : i32
      %dma_start3A_21 = tpu.memref_slice %arg3[%arg1, %dma_start3A_19, %dma_start3A_20] : memref<16x50x128xi32, #tpu.memory_space<hbm>> -> memref<1x50x128xi32, #tpu.memory_space<hbm>>
      %dma_start3A_22 = tpu.memref_squeeze %dma_start3A_21 : memref<1x50x128xi32, #tpu.memory_space<hbm>> -> memref<50x128xi32, #tpu.memory_space<hbm>>
      tpu.enqueue_dma source(%dma_start3A_22 : memref<50x128xi32, #tpu.memory_space<hbm>>) target(%arg6 : memref<50x128xi32, #tpu.memory_space<vmem>>) target_semaphore(%run_scoped3A : memref<!tpu.dma_semaphore, #tpu.memory_space<semaphore_mem>>)
      %dma_wait3A_23 = arith.constant 0 : i32
      %dma_wait3A_24 = arith.constant 0 : i32
      %dma_wait3A_25 = tpu.memref_slice %arg3[%arg1, %dma_wait3A_23, %dma_wait3A_24] : memref<16x50x128xi32, #tpu.memory_space<hbm>> -> memref<1x50x128xi32, #tpu.memory_space<hbm>>
      %dma_wait3A_26 = tpu.memref_squeeze %dma_wait3A_25 : memref<1x50x128xi32, #tpu.memory_space<hbm>> -> memref<50x128xi32, #tpu.memory_space<hbm>>
      %dma_wait3A_27 = arith.constant 0 : i32
      %dma_wait3A_28 = arith.constant 0 : i32
      %dma_wait3A_29 = tpu.memref_slice %arg3[%arg1, %dma_wait3A_27, %dma_wait3A_28] : memref<16x50x128xi32, #tpu.memory_space<hbm>> -> memref<1x50x128xi32, #tpu.memory_space<hbm>>
      %dma_wait3A_30 = tpu.memref_squeeze %dma_wait3A_29 : memref<1x50x128xi32, #tpu.memory_space<hbm>> -> memref<50x128xi32, #tpu.memory_space<hbm>>
      tpu.wait_dma2 semaphore(%run_scoped3A : memref<!tpu.dma_semaphore, #tpu.memory_space<semaphore_mem>>) src(%dma_wait3A_30 : memref<50x128xi32, #tpu.memory_space<hbm>>) dst(%arg6 : memref<50x128xi32, #tpu.memory_space<vmem>>)
      tpu.yield
    }) : () -> ()
    "tpu.region"() ({
      %run_scoped3A = tpu.sem_alloc : memref<!tpu.dma_semaphore, #tpu.memory_space<semaphore_mem>>
      %dma_start3A = arith.constant 0 : i32
      %dma_start3A_16 = arith.constant 0 : i32
      %dma_start3A_17 = arith.constant 0 : i32
      %dma_start3A_18 = tpu.memref_slice %arg2[%arg1, %dma_start3A, %dma_start3A_16, %dma_start3A_17] : memref<16x50x128x8xf32, #tpu.memory_space<hbm>> -> memref<1x50x128x8xf32, #tpu.memory_space<hbm>>
      %dma_start3A_19 = tpu.memref_squeeze %dma_start3A_18 : memref<1x50x128x8xf32, #tpu.memory_space<hbm>> -> memref<50x128x8xf32, #tpu.memory_space<hbm>>
      %dma_start3A_20 = arith.constant 0 : i32
      %dma_start3A_21 = arith.constant 0 : i32
      %dma_start3A_22 = arith.constant 0 : i32
      %dma_start3A_23 = tpu.memref_slice %arg2[%arg1, %dma_start3A_20, %dma_start3A_21, %dma_start3A_22] : memref<16x50x128x8xf32, #tpu.memory_space<hbm>> -> memref<1x50x128x8xf32, #tpu.memory_space<hbm>>
      %dma_start3A_24 = tpu.memref_squeeze %dma_start3A_23 : memref<1x50x128x8xf32, #tpu.memory_space<hbm>> -> memref<50x128x8xf32, #tpu.memory_space<hbm>>
      tpu.enqueue_dma source(%dma_start3A_24 : memref<50x128x8xf32, #tpu.memory_space<hbm>>) target(%arg7 : memref<50x128x8xf32, #tpu.memory_space<vmem>>) target_semaphore(%run_scoped3A : memref<!tpu.dma_semaphore, #tpu.memory_space<semaphore_mem>>)
      %dma_wait3A_25 = arith.constant 0 : i32
      %dma_wait3A_26 = arith.constant 0 : i32
      %dma_wait3A_27 = arith.constant 0 : i32
      %dma_wait3A_28 = tpu.memref_slice %arg2[%arg1, %dma_wait3A_25, %dma_wait3A_26, %dma_wait3A_27] : memref<16x50x128x8xf32, #tpu.memory_space<hbm>> -> memref<1x50x128x8xf32, #tpu.memory_space<hbm>>
      %dma_wait3A_29 = tpu.memref_squeeze %dma_wait3A_28 : memref<1x50x128x8xf32, #tpu.memory_space<hbm>> -> memref<50x128x8xf32, #tpu.memory_space<hbm>>
      %dma_wait3A_30 = arith.constant 0 : i32
      %dma_wait3A_31 = arith.constant 0 : i32
      %dma_wait3A_32 = arith.constant 0 : i32
      %dma_wait3A_33 = tpu.memref_slice %arg2[%arg1, %dma_wait3A_30, %dma_wait3A_31, %dma_wait3A_32] : memref<16x50x128x8xf32, #tpu.memory_space<hbm>> -> memref<1x50x128x8xf32, #tpu.memory_space<hbm>>
      %dma_wait3A_34 = tpu.memref_squeeze %dma_wait3A_33 : memref<1x50x128x8xf32, #tpu.memory_space<hbm>> -> memref<50x128x8xf32, #tpu.memory_space<hbm>>
      tpu.wait_dma2 semaphore(%run_scoped3A : memref<!tpu.dma_semaphore, #tpu.memory_space<semaphore_mem>>) src(%dma_wait3A_34 : memref<50x128x8xf32, #tpu.memory_space<hbm>>) dst(%arg7 : memref<50x128x8xf32, #tpu.memory_space<vmem>>)
      tpu.yield
    }) : () -> ()
    %barrier3A = arith.constant 0 : index
    tpu.barrier barrier_id(%barrier3A)
    %scan3A = arith.constant 0 : i32
    %scan3A_1 = arith.constant 0 : i32
    %scan3A_2 = arith.constant 50 : i32
    %scan3A_3 = arith.addi %scan3A_1, %scan3A_2 : i32
    %scan3A_4 = arith.constant 1 : i32
    scf.for %scan3A_16 = %scan3A_1 to %scan3A_3 step %scan3A_4  : i32 {
      %dma_start3A = arith.constant 0 : i32
      %dma_start3A_17 = arith.constant 0 : i32
      %dma_start3A_18 = tpu.memref_slice %arg7[%scan3A_16, %dma_start3A, %dma_start3A_17] : memref<50x128x8xf32, #tpu.memory_space<vmem>> -> memref<1x128x8xf32, #tpu.memory_space<vmem>>
      %dma_start3A_19 = tpu.memref_squeeze %dma_start3A_18 : memref<1x128x8xf32, #tpu.memory_space<vmem>> -> memref<128x8xf32, #tpu.memory_space<vmem>>
      %dma_start3A_20 = arith.constant 0 : i32
      %dma_start3A_21 = tpu.memref_slice %arg6[%scan3A_16, %dma_start3A_20] : memref<50x128xi32, #tpu.memory_space<vmem>> -> memref<1x128xi32, #tpu.memory_space<vmem>>
      %dma_start3A_22 = tpu.memref_squeeze %dma_start3A_21 : memref<1x128xi32, #tpu.memory_space<vmem>> -> memref<128xi32, #tpu.memory_space<vmem>>
      %dma_start3A_23 = arith.constant 0 : i32
      %dma_start3A_24 = arith.constant 0 : i32
      %dma_start3A_25 = tpu.memref_slice %arg8[%dma_start3A_23, %dma_start3A_24] : memref<1024x8xf32, #tpu.memory_space<vmem_shared>> -> memref<1024x8xf32, #tpu.memory_space<vmem_shared>>
      tpu.enqueue_indirect_dma source(%dma_start3A_19 : memref<128x8xf32, #tpu.memory_space<vmem>>) target(%dma_start3A_25 : memref<1024x8xf32, #tpu.memory_space<vmem_shared>>) offsets(%dma_start3A_22 : memref<128xi32, #tpu.memory_space<vmem>>) semaphore(%arg9 : memref<!tpu.dma_semaphore, #tpu.memory_space<semaphore_mem>>) {add = true}
    }
    %scan3A_5 = arith.constant 50 : i32
    %dma_wait3A = arith.constant 0 : i32
    %dma_wait3A_6 = arith.constant 0 : i32
    %dma_wait3A_7 = arith.constant 0 : i32
    %dma_wait3A_8 = tpu.memref_slice %arg2[%arg1, %dma_wait3A, %dma_wait3A_6, %dma_wait3A_7] : memref<16x50x128x8xf32, #tpu.memory_space<hbm>> -> memref<1x50x128x8xf32, #tpu.memory_space<hbm>>
    %dma_wait3A_9 = tpu.memref_squeeze %dma_wait3A_8 : memref<1x50x128x8xf32, #tpu.memory_space<hbm>> -> memref<50x128x8xf32, #tpu.memory_space<hbm>>
    %dma_wait3A_10 = arith.constant 0 : i32
    %dma_wait3A_11 = arith.constant 0 : i32
    %dma_wait3A_12 = arith.constant 0 : i32
    %dma_wait3A_13 = tpu.memref_slice %arg2[%arg1, %dma_wait3A_10, %dma_wait3A_11, %dma_wait3A_12] : memref<16x50x128x8xf32, #tpu.memory_space<hbm>> -> memref<1x50x128x8xf32, #tpu.memory_space<hbm>>
    %dma_wait3A_14 = tpu.memref_squeeze %dma_wait3A_13 : memref<1x50x128x8xf32, #tpu.memory_space<hbm>> -> memref<50x128x8xf32, #tpu.memory_space<hbm>>
    tpu.wait_dma2 semaphore(%arg9 : memref<!tpu.dma_semaphore, #tpu.memory_space<semaphore_mem>>) src(%dma_wait3A_14 : memref<50x128x8xf32, #tpu.memory_space<hbm>>) dst(%arg7 : memref<50x128x8xf32, #tpu.memory_space<vmem>>)
    %barrier3A_15 = arith.constant 0 : index
    tpu.barrier barrier_id(%barrier3A_15)
    "tpu.region"() ({
      %run_scoped3A = tpu.sem_alloc : memref<!tpu.dma_semaphore, #tpu.memory_space<semaphore_mem>>
      %dma_start3A = arith.constant 0 : i32
      %dma_start3A_16 = tpu.memref_slice %arg5[%mul3A_0, %dma_start3A] : memref<1024x8xf32, #tpu.memory_space<hbm>> -> memref<64x8xf32, #tpu.memory_space<hbm>>
      %dma_start3A_17 = arith.constant 0 : i32
      %dma_start3A_18 = tpu.memref_slice %arg8[%mul3A_0, %dma_start3A_17] : memref<1024x8xf32, #tpu.memory_space<vmem_shared>> -> memref<64x8xf32, #tpu.memory_space<vmem_shared>>
      tpu.enqueue_dma source(%dma_start3A_18 : memref<64x8xf32, #tpu.memory_space<vmem_shared>>) target(%dma_start3A_16 : memref<64x8xf32, #tpu.memory_space<hbm>>) target_semaphore(%run_scoped3A : memref<!tpu.dma_semaphore, #tpu.memory_space<semaphore_mem>>)
      %dma_wait3A_19 = arith.constant 0 : i32
      %dma_wait3A_20 = tpu.memref_slice %arg5[%mul3A_0, %dma_wait3A_19] : memref<1024x8xf32, #tpu.memory_space<hbm>> -> memref<64x8xf32, #tpu.memory_space<hbm>>
      %dma_wait3A_21 = arith.constant 0 : i32
      %dma_wait3A_22 = tpu.memref_slice %arg8[%mul3A_0, %dma_wait3A_21] : memref<1024x8xf32, #tpu.memory_space<vmem_shared>> -> memref<64x8xf32, #tpu.memory_space<vmem_shared>>
      tpu.wait_dma2 semaphore(%run_scoped3A : memref<!tpu.dma_semaphore, #tpu.memory_space<semaphore_mem>>) src(%dma_wait3A_22 : memref<64x8xf32, #tpu.memory_space<vmem_shared>>) dst(%dma_wait3A_20 : memref<64x8xf32, #tpu.memory_space<hbm>>)
      tpu.yield
    }) : () -> ()
    return
  }
}

module attributes {stable_mosaic.version = 14 : i64} {
  func.func @_mlp_body(%arg0: i32, %arg1: memref<1x1x2048xi32, #tpu.memory_space<vmem>>, %arg2: memref<3x2048xf32, #tpu.memory_space<vmem>>, %arg3: memref<128x64xbf16, #tpu.memory_space<vmem>>, %arg4: memref<3x64xf32, #tpu.memory_space<vmem>>, %arg5: memref<1x64xf32, #tpu.memory_space<vmem>>, %arg6: memref<64x64xbf16, #tpu.memory_space<vmem>>, %arg7: memref<1x64xf32, #tpu.memory_space<vmem>>, %arg8: memref<64x8xbf16, #tpu.memory_space<vmem>>, %arg9: memref<1x8xf32, #tpu.memory_space<vmem>>, %arg10: memref<128x128xf32, #tpu.memory_space<vmem>>) attributes {dimension_semantics = [#tpu.dimension_semantics<arbitrary>], iteration_bounds = array<i64: 50>, scalar_prefetch = 0 : i64, scratch_operands = 0 : i64, tpu.core_type = #tpu.core_type<tc>, window_params = [{transform_indices = @transform_0, window_bounds = array<i64: 1, 1, 2048>}, {transform_indices = @transform_1, window_bounds = array<i64: 3, 2048>}, {pipeline_mode = #tpu.pipeline_mode<synchronous>, transform_indices = @transform_2, window_bounds = array<i64: 128, 64>}, {pipeline_mode = #tpu.pipeline_mode<synchronous>, transform_indices = @transform_3, window_bounds = array<i64: 3, 64>}, {pipeline_mode = #tpu.pipeline_mode<synchronous>, transform_indices = @transform_4, window_bounds = array<i64: 1, 64>}, {pipeline_mode = #tpu.pipeline_mode<synchronous>, transform_indices = @transform_5, window_bounds = array<i64: 64, 64>}, {pipeline_mode = #tpu.pipeline_mode<synchronous>, transform_indices = @transform_6, window_bounds = array<i64: 1, 64>}, {pipeline_mode = #tpu.pipeline_mode<synchronous>, transform_indices = @transform_7, window_bounds = array<i64: 64, 8>}, {pipeline_mode = #tpu.pipeline_mode<synchronous>, transform_indices = @transform_8, window_bounds = array<i64: 1, 8>}, {transform_indices = @transform_9, window_bounds = array<i64: 128, 128>}]} {
    %get3A = arith.constant 0 : index
    %get3A_0 = arith.constant 0 : index
    %get3A_1 = arith.constant 0 : index
    %get3A_2 = vector.load %arg1[%get3A, %get3A_0, %get3A_1] : memref<1x1x2048xi32, #tpu.memory_space<vmem>>, vector<1x1x2048xi32>
    %get3A_3 = vector.shape_cast %get3A_2 : vector<1x1x2048xi32> to vector<2048xi32>
    %broadcast_in_dim3A = vector.shape_cast %get3A_3 : vector<2048xi32> to vector<2048x1xi32>
    %iota3A = tpu.iota {dimensions = array<i32: 1>} : vector<2048x128xi32>
    %eq3A = vector.broadcast %broadcast_in_dim3A : vector<2048x1xi32> to vector<2048x128xi32>
    %eq3A_4 = arith.cmpi eq, %eq3A, %iota3A : vector<2048x128xi32>
    %convert_element_type3A = arith.extui %eq3A_4 : vector<2048x128xi1> to vector<2048x128xi32>
    %convert_element_type3A_5 = arith.sitofp %convert_element_type3A : vector<2048x128xi32> to vector<2048x128xf32>
    %convert_element_type3A_6 = arith.truncf %convert_element_type3A_5 : vector<2048x128xf32> to vector<2048x128xbf16>
    %get3A_7 = arith.constant 0 : index
    %get3A_8 = arith.constant 0 : index
    %get3A_9 = vector.load %arg3[%get3A_7, %get3A_8] : memref<128x64xbf16, #tpu.memory_space<vmem>>, vector<128x64xbf16>
    %dot_general3A = arith.constant dense<0.000000e+00> : vector<2048x64xf32>
    %dot_general3A_10 = tpu.matmul %convert_element_type3A_6, %get3A_9, %dot_general3A {dimension_numbers = #tpu.dot_dimension_numbers<[1], [0], [0], [1], [0, 0, 1, 1], [], []>, transpose_lhs_hint = false} : vector<2048x128xbf16>, vector<128x64xbf16>, vector<2048x64xf32> -> vector<2048x64xf32>
    %get3A_11 = arith.constant 0 : index
    %get3A_12 = arith.constant 0 : index
    %get3A_13 = vector.load %arg2[%get3A_11, %get3A_12] : memref<3x2048xf32, #tpu.memory_space<vmem>>, vector<3x2048xf32>
    %get3A_14 = arith.constant 0 : index
    %get3A_15 = arith.constant 0 : index
    %get3A_16 = vector.load %arg4[%get3A_14, %get3A_15] : memref<3x64xf32, #tpu.memory_space<vmem>>, vector<3x64xf32>
    %dot_general3A_17 = arith.constant dense<0.000000e+00> : vector<2048x64xf32>
    %dot_general3A_18 = tpu.matmul %get3A_13, %get3A_16, %dot_general3A_17 {dimension_numbers = #tpu.dot_dimension_numbers<[0], [0], [1], [1], [0, 1, 1, 1], [], []>, transpose_lhs_hint = false} : vector<3x2048xf32>, vector<3x64xf32>, vector<2048x64xf32> -> vector<2048x64xf32>
    %add3A = arith.addf %dot_general3A_10, %dot_general3A_18 : vector<2048x64xf32>
    %get3A_19 = arith.constant 0 : index
    %get3A_20 = arith.constant 0 : index
    %get3A_21 = vector.load %arg5[%get3A_19, %get3A_20] : memref<1x64xf32, #tpu.memory_space<vmem>>, vector<1x64xf32>
    %add3A_22 = vector.broadcast %get3A_21 : vector<1x64xf32> to vector<2048x64xf32>
    %add3A_23 = arith.addf %add3A, %add3A_22 : vector<2048x64xf32>
    %max3A = arith.constant 0.000000e+00 : f32
    %max3A_24 = vector.broadcast %max3A : f32 to vector<2048x64xf32>
    %max3A_25 = arith.maximumf %add3A_23, %max3A_24 : vector<2048x64xf32>
    %convert_element_type3A_26 = arith.truncf %max3A_25 : vector<2048x64xf32> to vector<2048x64xbf16>
    %get3A_27 = arith.constant 0 : index
    %get3A_28 = arith.constant 0 : index
    %get3A_29 = vector.load %arg6[%get3A_27, %get3A_28] : memref<64x64xbf16, #tpu.memory_space<vmem>>, vector<64x64xbf16>
    %dot_general3A_30 = arith.constant dense<0.000000e+00> : vector<2048x64xf32>
    %dot_general3A_31 = tpu.matmul %convert_element_type3A_26, %get3A_29, %dot_general3A_30 {dimension_numbers = #tpu.dot_dimension_numbers<[1], [0], [0], [1], [0, 0, 1, 1], [], []>, transpose_lhs_hint = false} : vector<2048x64xbf16>, vector<64x64xbf16>, vector<2048x64xf32> -> vector<2048x64xf32>
    %get3A_32 = arith.constant 0 : index
    %get3A_33 = arith.constant 0 : index
    %get3A_34 = vector.load %arg7[%get3A_32, %get3A_33] : memref<1x64xf32, #tpu.memory_space<vmem>>, vector<1x64xf32>
    %add3A_35 = vector.broadcast %get3A_34 : vector<1x64xf32> to vector<2048x64xf32>
    %add3A_36 = arith.addf %dot_general3A_31, %add3A_35 : vector<2048x64xf32>
    %tanh3A = math.tanh %add3A_36 : vector<2048x64xf32>
    %convert_element_type3A_37 = arith.truncf %tanh3A : vector<2048x64xf32> to vector<2048x64xbf16>
    %get3A_38 = arith.constant 0 : index
    %get3A_39 = arith.constant 0 : index
    %get3A_40 = vector.load %arg8[%get3A_38, %get3A_39] : memref<64x8xbf16, #tpu.memory_space<vmem>>, vector<64x8xbf16>
    %dot_general3A_41 = arith.constant dense<0.000000e+00> : vector<2048x8xf32>
    %dot_general3A_42 = tpu.matmul %convert_element_type3A_37, %get3A_40, %dot_general3A_41 {dimension_numbers = #tpu.dot_dimension_numbers<[1], [0], [0], [1], [0, 0, 1, 1], [], []>, transpose_lhs_hint = false} : vector<2048x64xbf16>, vector<64x8xbf16>, vector<2048x8xf32> -> vector<2048x8xf32>
    %get3A_43 = arith.constant 0 : index
    %get3A_44 = arith.constant 0 : index
    %get3A_45 = vector.load %arg9[%get3A_43, %get3A_44] : memref<1x8xf32, #tpu.memory_space<vmem>>, vector<1x8xf32>
    %add3A_46 = vector.broadcast %get3A_45 : vector<1x8xf32> to vector<2048x8xf32>
    %add3A_47 = arith.addf %dot_general3A_42, %add3A_46 : vector<2048x8xf32>
    %mul3A = arith.constant 2048 : i32
    %mul3A_48 = arith.muli %arg0, %mul3A : i32
    %iota3A_49 = tpu.iota {dimensions = array<i32: 0>} : vector<2048x8xi32>
    %add3A_50 = vector.broadcast %mul3A_48 : i32 to vector<2048x8xi32>
    %add3A_51 = arith.addi %add3A_50, %iota3A_49 : vector<2048x8xi32>
    %lt3A = arith.constant 100000 : i32
    %lt3A_52 = vector.broadcast %lt3A : i32 to vector<2048x8xi32>
    %lt3A_53 = arith.cmpi slt, %add3A_51, %lt3A_52 : vector<2048x8xi32>
    %jit3A = arith.constant 0.000000e+00 : f32
    %broadcast_in_dim3A_54 = vector.broadcast %jit3A : f32 to vector<2048x8xf32>
    %select_n3A = arith.select %lt3A_53, %add3A_47, %broadcast_in_dim3A_54 : vector<2048x8xi1>, vector<2048x8xf32>
    %slice3A = vector.extract_strided_slice %select_n3A {offsets = [0, 0], sizes = [128, 8], strides = [1, 1]} : vector<2048x8xf32> to vector<128x8xf32>
    %slice3A_55 = vector.extract_strided_slice %select_n3A {offsets = [128, 0], sizes = [128, 8], strides = [1, 1]} : vector<2048x8xf32> to vector<128x8xf32>
    %slice3A_56 = vector.extract_strided_slice %select_n3A {offsets = [256, 0], sizes = [128, 8], strides = [1, 1]} : vector<2048x8xf32> to vector<128x8xf32>
    %slice3A_57 = vector.extract_strided_slice %select_n3A {offsets = [384, 0], sizes = [128, 8], strides = [1, 1]} : vector<2048x8xf32> to vector<128x8xf32>
    %slice3A_58 = vector.extract_strided_slice %select_n3A {offsets = [512, 0], sizes = [128, 8], strides = [1, 1]} : vector<2048x8xf32> to vector<128x8xf32>
    %slice3A_59 = vector.extract_strided_slice %select_n3A {offsets = [640, 0], sizes = [128, 8], strides = [1, 1]} : vector<2048x8xf32> to vector<128x8xf32>
    %slice3A_60 = vector.extract_strided_slice %select_n3A {offsets = [768, 0], sizes = [128, 8], strides = [1, 1]} : vector<2048x8xf32> to vector<128x8xf32>
    %slice3A_61 = vector.extract_strided_slice %select_n3A {offsets = [896, 0], sizes = [128, 8], strides = [1, 1]} : vector<2048x8xf32> to vector<128x8xf32>
    %slice3A_62 = vector.extract_strided_slice %select_n3A {offsets = [1024, 0], sizes = [128, 8], strides = [1, 1]} : vector<2048x8xf32> to vector<128x8xf32>
    %slice3A_63 = vector.extract_strided_slice %select_n3A {offsets = [1152, 0], sizes = [128, 8], strides = [1, 1]} : vector<2048x8xf32> to vector<128x8xf32>
    %slice3A_64 = vector.extract_strided_slice %select_n3A {offsets = [1280, 0], sizes = [128, 8], strides = [1, 1]} : vector<2048x8xf32> to vector<128x8xf32>
    %slice3A_65 = vector.extract_strided_slice %select_n3A {offsets = [1408, 0], sizes = [128, 8], strides = [1, 1]} : vector<2048x8xf32> to vector<128x8xf32>
    %slice3A_66 = vector.extract_strided_slice %select_n3A {offsets = [1536, 0], sizes = [128, 8], strides = [1, 1]} : vector<2048x8xf32> to vector<128x8xf32>
    %slice3A_67 = vector.extract_strided_slice %select_n3A {offsets = [1664, 0], sizes = [128, 8], strides = [1, 1]} : vector<2048x8xf32> to vector<128x8xf32>
    %slice3A_68 = vector.extract_strided_slice %select_n3A {offsets = [1792, 0], sizes = [128, 8], strides = [1, 1]} : vector<2048x8xf32> to vector<128x8xf32>
    %slice3A_69 = vector.extract_strided_slice %select_n3A {offsets = [1920, 0], sizes = [128, 8], strides = [1, 1]} : vector<2048x8xf32> to vector<128x8xf32>
    %concatenate3A = tpu.concatenate %slice3A, %slice3A_55, %slice3A_56, %slice3A_57, %slice3A_58, %slice3A_59, %slice3A_60, %slice3A_61, %slice3A_62, %slice3A_63, %slice3A_64, %slice3A_65, %slice3A_66, %slice3A_67, %slice3A_68, %slice3A_69 in 1 : vector<128x8xf32>, vector<128x8xf32>, vector<128x8xf32>, vector<128x8xf32>, vector<128x8xf32>, vector<128x8xf32>, vector<128x8xf32>, vector<128x8xf32>, vector<128x8xf32>, vector<128x8xf32>, vector<128x8xf32>, vector<128x8xf32>, vector<128x8xf32>, vector<128x8xf32>, vector<128x8xf32>, vector<128x8xf32> -> vector<128x128xf32>
    %swap3A = arith.constant 0 : index
    %swap3A_70 = arith.constant 0 : index
    %swap3A_71 = vector.load %arg10[%swap3A, %swap3A_70] : memref<128x128xf32, #tpu.memory_space<vmem>>, vector<128x128xf32>
    tpu.vector_store %arg10[%swap3A, %swap3A_70], %concatenate3A {strides = array<i32>} : memref<128x128xf32, #tpu.memory_space<vmem>>, vector<128x128xf32>,
    return
  }
  func.func @transform_0(%arg0: i32) -> (i32, i32, i32) {
    %c0_i32 = arith.constant 0 : i32
    %c0_i32_0 = arith.constant 0 : i32
    %c0_i32_1 = arith.constant 0 : i32
    return %arg0, %c0_i32, %c0_i32_0 : i32, i32, i32
  }
  func.func @transform_1(%arg0: i32) -> (i32, i32) {
    %c0_i32 = arith.constant 0 : i32
    %c0_i32_0 = arith.constant 0 : i32
    return %c0_i32, %arg0 : i32, i32
  }
  func.func @transform_2(%arg0: i32) -> (i32, i32) {
    %c0_i32 = arith.constant 0 : i32
    %c0_i32_0 = arith.constant 0 : i32
    %c0_i32_1 = arith.constant 0 : i32
    return %c0_i32, %c0_i32_0 : i32, i32
  }
  func.func @transform_3(%arg0: i32) -> (i32, i32) {
    %c0_i32 = arith.constant 0 : i32
    %c0_i32_0 = arith.constant 0 : i32
    %c0_i32_1 = arith.constant 0 : i32
    return %c0_i32, %c0_i32_0 : i32, i32
  }
  func.func @transform_4(%arg0: i32) -> (i32, i32) {
    %c0_i32 = arith.constant 0 : i32
    %c0_i32_0 = arith.constant 0 : i32
    %c0_i32_1 = arith.constant 0 : i32
    return %c0_i32, %c0_i32_0 : i32, i32
  }
  func.func @transform_5(%arg0: i32) -> (i32, i32) {
    %c0_i32 = arith.constant 0 : i32
    %c0_i32_0 = arith.constant 0 : i32
    %c0_i32_1 = arith.constant 0 : i32
    return %c0_i32, %c0_i32_0 : i32, i32
  }
  func.func @transform_6(%arg0: i32) -> (i32, i32) {
    %c0_i32 = arith.constant 0 : i32
    %c0_i32_0 = arith.constant 0 : i32
    %c0_i32_1 = arith.constant 0 : i32
    return %c0_i32, %c0_i32_0 : i32, i32
  }
  func.func @transform_7(%arg0: i32) -> (i32, i32) {
    %c0_i32 = arith.constant 0 : i32
    %c0_i32_0 = arith.constant 0 : i32
    %c0_i32_1 = arith.constant 0 : i32
    return %c0_i32, %c0_i32_0 : i32, i32
  }
  func.func @transform_8(%arg0: i32) -> (i32, i32) {
    %c0_i32 = arith.constant 0 : i32
    %c0_i32_0 = arith.constant 0 : i32
    %c0_i32_1 = arith.constant 0 : i32
    return %c0_i32, %c0_i32_0 : i32, i32
  }
  func.func @transform_9(%arg0: i32) -> (i32, i32) {
    %c0_i32 = arith.constant 0 : i32
    %c0_i32_0 = arith.constant 0 : i32
    return %arg0, %c0_i32 : i32, i32
  }
}

</mosaic_0001>

<sc_bundles>
// kernel: kernel.4.cloned.1.call-start
scs
__scs_entry_jumppad:
0x0: {  	(pc) =	sbr.rel $0x88, $3  }
0x1: {  	(tag) =	ssettag $0x0;
	lr =	simm.s32 $0x1  }
0x2: {  	[smem:$0x3F97] =	sst lr;
	_ =	strace $0xD0000000  }
0x3: {  	_ = 	snop  }
0x4: {  	_ = 	snop  }
0x5: {  	_ = 	snop  }
0x6: {  	_ = 	snop  }
0x7: {  	_ = 	snop  }
__scs_overlays_trampoline_lowered:
0x8: {  	[smem:$0x3FA6] =	sst s0  }
0x9: {  	[smem:$0x3FA7] =	sst s1  }
0xa: {  	[smem:$0x3FA8] =	sst s2  }
0xb: {  	[smem:$0x3FA9] =	sst s3  }
0xc: {  	[smem:$0x3FAA] =	sst s4  }
0xd: {  	[smem:$0x3FAB] =	sst s5  }
0xe: {  	[smem:$0x3FAC] =	sst s6  }
0xf: {  	[smem:$0x3FAD] =	sst s7  }
0x10: {  	[smem:$0x3FAE] =	sst s8  }
0x11: {  	[smem:$0x3FAF] =	sst s9;
	s0 =	simm.s32 @!p0 $0x0  }
0x12: {  	s1 =	sld [smem:$0x3F95];
	s0 =	simm.s32 @p0 $0x1  }
0x13: {  	[smem:$0x3FB0] =	sst s0;
	s0 =	simm.s32 @!p1 $0x0  }
0x14: {  	s2 =	sld [smem:$0x3F94];
	s0 =	simm.s32 @p1 $0x1  }
0x15: {  	[smem:$0x3FB1] =	sst s0;
	s0 =	simm.s32 @!p2 $0x0  }
0x16: {  	s3 =	sld [smem:$0x3FDB];
	s0 =	simm.s32 @p2 $0x1  }
0x17: {  	s4 =	simm.s32 $0x1BF5;
	[smem:$0x3FB3] =	sst s0  }
0x18: {  	s0 =	sld [smem:$0x3F96];
	_ =	swait.ge [sflag:s4], $0x0  }
0x19: {  	s7 =	sld [smem:$0x3F97]  }
0x1a: {  	s8 =	sadd.s32 $0xFFFFE003, lr  }
0x1b: {  	s9 =	sadd.s32 $0xFFFFFEF7, lr;
	s5 =	simm.s32 $0xFFFFFFFF;
	p2 =	slt.u32 s8, $0xFFFFF086  }
0x1c: {  	p1 =	slt.u32 s9, $0xF7A;
	s5 =	simm.s32 @!p2 $0x0  }
0x1d: {  	s5 =	simm.s32 @p1 $0x1;
	p0 =	seq.s32 s7, s2  }
0x1e: {  	s7 =	smul.u32 @!p0 $0xF7A, s2;
	p2 =	seq.s32 @!p0 s5, $0x0  }
0x1f: {  	s9 =	smul.u32 $0xF7A, s1;
	s8 =	simm.s32 @!p0 $0x1BF5;
	p2 =	por !p2, p0  }
0x20: {  	[sflag:s8] =	ssyncset.s32 @!p0 $0xFFFFF086;
	s6 =	sadd.s32 @!p0 s3, s7;
	s7 =	simm.s32 @!p0 $0x108  }
0x21: {  	s3 =	sadd.s32 s3, s9;
	s6 =	sadd.s32 @!p0 $0x88, s6;
	s7 =	simm.s32 @p2 $0x1082  }
0x22: {  	[simem:s7], [sflag:s8] =	dma.local @!p0 [hbm:s6], $0xF7A  }
0x23: {  	s9 =	sor.u32 $0xD0000000, s2;
	s6 =	simm.s32 $0x108;
	_ =	swait.ge @!p0 [sflag:s8], $0x0  }
0x24: {  	s3 =	sadd.s32 $0x88, s3;
	s6 =	simm.s32 @!p1 $0x1082;
	[sflag:s4] =	ssyncset.s32 $0xFFFFF086  }
0x25: {  	[simem:s6], [sflag:s4] =	dma.local [hbm:s3], $0xF7A  }
0x26: {  	[smem:$0x3F97] =	sst s1;
	(tag) =	ssettag s2;
	_ =	strace s9  }
0x27: {  	s1 =	sld [smem:$0x3FA7]  }
0x28: {  	s2 =	sld [smem:$0x3FA8]  }
0x29: {  	s4 =	sld [smem:$0x3FAA]  }
0x2a: {  	p0 =	seq.s32 s5, $0x0;
	s5 =	sld [smem:$0x3FAB]  }
0x2b: {  	s6 =	sld [smem:$0x3FAC]  }
0x2c: {  	s7 =	sld [smem:$0x3FAD]  }
0x2d: {  	s3 =	simm.s32 $0x108;
	s8 =	sld [smem:$0x3FAE]  }
0x2e: {  	s3 =	simm.s32 @!p0 $0x1082;
	s9 =	sld [smem:$0x3FAF]  }
0x2f: {  	lr =	sadd.s32 s0, s3;
	s0 =	sld [smem:$0x3FA6]  }
0x30: {  	s3 =	sld [smem:$0x3FA9]  }
0x31: {  	[smem:$0x3FB2] =	sst s10  }
0x32: {  	s10 =	sld [smem:$0x3FB0];
	_ =	sdelay $0x3  }
0x33: {  	p0 =	seq.s32 s10, $0x1;
	s10 =	sld [smem:$0x3FB2];
	_ =	sdelay $0x3  }
0x34: {  	[smem:$0x3FB2] =	sst s10  }
0x35: {  	s10 =	sld [smem:$0x3FB1];
	_ =	sdelay $0x3  }
0x36: {  	p1 =	seq.s32 s10, $0x1;
	s10 =	sld [smem:$0x3FB2];
	_ =	sdelay $0x3  }
0x37: {  	[smem:$0x3FB2] =	sst s10  }
0x38: {  	s10 =	sld [smem:$0x3FB3]  }
0x39: {  	_ = 	snop;
	(pc) =	sbr.ind lr, $3  }
0x3a: {  	_ = 	snop  }
0x3b: {  	_ = 	snop  }
0x3c: {  	p2 =	seq.s32 s10, $0x1;
	s10 =	sld [smem:$0x3FB2]  }
0x3d: {  	_ =	shalt  }
0x3e: {  	_ =	shalt  }
0x3f: {  	_ =	shalt  }
0x40: {  	_ =	shalt  }
0x41: {  	_ =	shalt  }
0x42: {  	_ =	shalt  }
0x43: {  	_ =	shalt  }
0x44: {  	_ =	shalt  }
0x45: {  	_ =	shalt  }
0x46: {  	_ =	shalt  }
0x47: {  	_ =	shalt  }
0x48: {  	_ =	shalt  }
0x49: {  	_ =	shalt  }
0x4a: {  	_ =	shalt  }
0x4b: {  	_ =	shalt  }
0x4c: {  	_ =	shalt  }
0x4d: {  	_ =	shalt  }
0x4e: {  	_ =	shalt  }
0x4f: {  	_ =	shalt  }
0x50: {  	_ =	shalt  }
0x51: {  	_ =	shalt  }
0x52: {  	_ =	shalt  }
0x53: {  	_ =	shalt  }
0x54: {  	_ =	shalt  }
0x55: {  	_ =	shalt  }
0x56: {  	_ =	shalt  }
0x57: {  	_ =	shalt  }
0x58: {  	_ =	shalt  }
0x59: {  	_ =	shalt  }
0x5a: {  	_ =	shalt  }
0x5b: {  	_ =	shalt  }
0x5c: {  	_ =	shalt  }
0x5d: {  	_ =	shalt  }
0x5e: {  	_ =	shalt  }
0x5f: {  	_ =	shalt  }
0x60: {  	_ =	shalt  }
0x61: {  	_ =	shalt  }
0x62: {  	_ =	shalt  }
0x63: {  	_ =	shalt  }
0x64: {  	_ =	shalt  }
0x65: {  	_ =	shalt  }
0x66: {  	_ =	shalt  }
0x67: {  	_ =	shalt  }
0x68: {  	_ =	shalt  }
0x69: {  	_ =	shalt  }
0x6a: {  	_ =	shalt  }
0x6b: {  	_ =	shalt  }
0x6c: {  	_ =	shalt  }
0x6d: {  	_ =	shalt  }
0x6e: {  	_ =	shalt  }
0x6f: {  	_ =	shalt  }
0x70: {  	_ =	shalt  }
0x71: {  	_ =	shalt  }
0x72: {  	_ =	shalt  }
0x73: {  	_ =	shalt  }
0x74: {  	_ =	shalt  }
0x75: {  	_ =	shalt  }
0x76: {  	_ =	shalt  }
0x77: {  	_ =	shalt  }
0x78: {  	_ =	shalt  }
0x79: {  	_ =	shalt  }
0x7a: {  	_ =	shalt  }
0x7b: {  	_ =	shalt  }
0x7c: {  	_ =	shalt  }
0x7d: {  	_ =	shalt  }
0x7e: {  	_ =	shalt  }
0x7f: {  	_ =	shalt  }
0x80: {  	_ =	shalt  }
0x81: {  	_ =	shalt  }
0x82: {  	_ =	shalt  }
0x83: {  	_ =	shalt  }
0x84: {  	_ =	shalt  }
0x85: {  	_ =	shalt  }
0x86: {  	_ =	shalt  }
0x87: {  	_ =	shalt  }
.Lfunc_end0:
.L_simem_size_0:
called_computation_lowered:
.L_overlay_start_0:
0x88: {  	s0 =	sld [smem:$0x3FD9]  }
0x89: {  	s1 =	sld [smem:$0x3FFE];
	_ =	sdelay $0x3  }
0x8a: {  	s0 =	sadd.s32 s1, s0  }
0x8b: {  	[smem:$0x3FBE] =	sst s0  }
0x8c: {  	_ = 	snop  }
0x8d: {  	s0 =	sld [smem:$0x3FD0];
	(tm) =	ssettm $0x1  }
0x8e: {  	s16 =	sld [smem:$0x3FFB];
	_ =	sdelay $0x3  }
0x8f: {  	_ =	strace s16  }
0x90: {  	s1 =	sld [smem:$0x3FFC];
	_ =	sdelay $0x3  }
0x91: {  	_ =	strace s1  }
0x92: {  	s1 =	sld [smem:$0x3FFD];
	_ =	sdelay $0x3  }
0x93: {  	_ =	strace s1  }
0x94: {  	_ =	strace $0x8FFFFFFF  }
0x95: {  	s17 =	sld [smem:$0x3FDB];
	_ =	sdelay $0x1  }
0x96: {  	s2 =	simm.s32 $_scs_section_size  }
0x97: {  	s3 =	simm.s32 $_size__tile_overlayer_lowered;
	s4 =	simm.s32 $_tile_overlayer_lowered  }
0x98: {  	s20 =	simm.s32 $0x1BFF;
	s19 =	sshll.u32 s4, $0x1;
	s1 =	sadd.s32 s2, s17  }
0x99: {  	s5 =	simm.s32 $0x0;
	s18 =	sshll.u32 s3, $0x1;
	s3 =	sadd.s32 s19, s1  }
0x9a: {  	[timem:s5], [sflag:s20] =	dma.local [hbm:s3], s18  }
0x9b: {  	_ =	swait.ge [sflag:s20], s18  }
0x9c: {  	s2 =	ssub.s32 $0x0, s18;
	[sflag:s20] =	ssyncset.done $0x0  }
0x9d: {  	[sflag:s20] =	ssyncadd.s32 s2;
	_ =	sdelay $0x1  }
0x9e: {  	s21 =	simm.s32 $0x1B8B  }
0x9f: {  	_ =	swait.ge [sflag:s21], $0x1  }
0xa0: {  	[sflag:s21] =	ssyncset.done $0x0  }
0xa1: {  	s23 =	simm.s32 $0x1B8E;
	s22 =	sld [smem:$0x3FFE];
	[sflag:s21] =	ssyncadd.s32 $0xFFFFFFFF  }
0xa2: {  	s24 =	simm.s32 $execute0_lowered;
	[smem:$0x3FD2] =	sst s23  }
0xa3: {  	s3 =	sshll.u32 s24, $0x1;
	_ =	strace $0x80000046;
	[dreg:$0x1] =	wrdreg $0xFFFFFFFF  }
0xa4: {  	s25 =	simm.s32 $_size_execute0_lowered;
	s1 =	sadd.s32 s1, s3;
	[dreg:$0x0] =	wrdreg $0x0  }
0xa5: {  	s3 =	sshll.u32 s25, $0x1;
	[dreg:$0x2] =	wrdreg s1  }
0xa6: {  	[dreg:$0x3] =	wrdreg s3  }
0xa7: {  	[dreg:$0x4] =	wrdreg $0xC0  }
0xa8: {  	_ =	task [dreg:s5], $0x5FFFF  }
0xa9: {  	[dreg:$0x1] =	wrdreg $0xFFFFFFFF  }
0xaa: {  	[dreg:$0x0] =	wrdreg $0x60  }
0xab: {  	[dreg:$0x2] =	wrdreg s22  }
0xac: {  	[dreg:$0x3] =	wrdreg s0  }
0xad: {  	[dreg:$0x4] =	wrdreg $0xE1000  }
0xae: {  	[dreg:$0x5] =	wrdreg $0x9  }
0xaf: {  	_ =	task.clear_ibuf [dreg:s5], $0x6FFFF;
	_ =	strace $0x90000046  }
0xb0: {  	s26 =	simm.s32 $0x9;
	_ =	strace $0x80000048  }
0xb1: {  	_ =	swait.ge [sflag:s26], $0x1  }
0xb2: {  	[sflag:s26] =	ssyncadd.s32 $0xFFFFFFFF  }
0xb3: {  	_ =	strace $0x90000048  }
0xb4: {  	_ =	sfence  }
0xb5: {  	s28 =	sld [smem:$0x0];
	_ =	sdelay $0x1  }
0xb6: {  	s29 =	srdreg.scid  }
0xb7: {  	s30 =	sshll.u32 s29, $0xD;
	s31 =	sshrl.u32 s29, $0x2  }
0xb8: {  	s2 =	sand.u32 $0x4000, s30;
	s1 =	sand.u32 $0x1, s29;
	s0 =	sadd.s32 s31, s28  }
0xb9: {  	s1 =	sor.u32 s2, s1;
	s0 =	sshll.u32 s0, $0x11  }
0xba: {  	s0 =	sor.u32 s0, s1  }
0xbb: {  	s0 =	sadd.s32 $0x8F2B, s0  }
0xbc: {  	[sflag:s0] =	ssyncadd.remote.s32 $0x1  }
0xbd: {  	_ =	sfence.sel $0xFFFF  }
0xbe: {  	[dreg:$0x0] =	wrdreg $0xFFFFFFFF;
	(pc) =	sbr.abs _section_cstart, $3  }
0xbf: {  	[dreg:$0x1] =	wrdreg $0xFFFFFFFF  }
0xc0: {  	_ =	task.clear_ibuf [dreg:s5], $0x2FFFF;
	_ =	strace $0x9FFFFFFF  }
0xc1: {  	(tm) =	ssettm $0x7FFFFFFF  }
tec
execute0_lowered:
.L_overlay_start_1:
0x0: {  	(tag) =	ssettag $0x1  }
0x1: {  	s6 =	rddreg [dreg:$0x0]  }
0x2: {  	s4 =	rddreg [dreg:$0x1]  }
0x3: {  	s2 =	rddreg [dreg:$0x2]  }
0x4: {  	s0 =	rddreg [dreg:$0x3]  }
0x5: {  	s8 =	simm.s32 $0x0;
	s1 =	stileid.u32;
	s9 =	simm.s32 $0x2  }
0x6: {  	[smem:$0x7FF] =	sst s8;
	s3 =	sshll.u32 s1, $0x9;
	s30 =	smul.u32 $0x320, s1  }
0x7: {  	_ =	strace $0x80000047;
	s5 =	sadd.s32 s3, s2;
	s3 =	sshll.u32 s1, $0x6  }
0x8: {  	s7 =	sadd.s32 s4, s3;
	s4 =	sor.u32 $0x1C02, s3;
	s5 =	sshrl.u32 s5, $0x3  }
0x9: {  	[spmem:s5], [sflag:s4] =	dma.local [hbm:s7], $0x40  }
0xa: {  	_ =	swait.ge [sflag:s9], $0x40  }
0xb: {  	s7 =	sadd.s32 s30, s6;
	[sflag:s9] =	ssyncset.done $0x0  }
0xc: {  	s10 =	smul.u32 $0x1900, s1;
	s7 =	sadd.s32 $0xC00, s7;
	[sflag:s9] =	ssyncadd.s32 $0xFFFFFFC0  }
0xd: {  	[tilespmem:s8], [sflag:$0x2] =	stream.linear.gather [hbm4b:s7+s8], $0x1900, $0x38;
	[tilespmem:$0xE300] =	vst v63  }
0xe: {  	_ =	swait.ge [sflag:s9], $0x1900  }
0xf: {  	s31 =	sadd.s32 s10, s6;
	[sflag:s9] =	ssyncset.done $0x0  }
0x10: {  	s10 =	sadd.s32 $0x3E00, s31;
	s7 =	simm.s32 $0x1900;
	[sflag:s9] =	ssyncadd.s32 $0xFFFFE700  }
0x11: {  	[tilespmem:s7], [sflag:$0x2] =	stream.linear.gather [hbm4b:s10+s8], $0xC800, $0x38;
	[tilespmem:$0xE300] =	vst v63  }
0x12: {  	_ =	swait.ge [sflag:s9], $0xC800  }
0x13: {  	s11 =	simm.s32 $0x0;
	[sflag:s9] =	ssyncset.done $0x0  }
0x14: {  	s6 =	sadd.s32 $0x1CE00, s6;
	s8 =	simm.s32 $0x80;
	[sflag:s9] =	ssyncadd.s32 $0xFFFF3800  }
0x15: {  	s10 =	simm.s32 $0x1D00;
	s9 =	simm.s32 $0x200;
	[bflag:$0x0] =	sbarrier.arrive $0xFFFF  }
.LBB2_1:
0x16: {  	[spmem:s2] =	stream.indirect.scatter.add.f32 [tilespmem:s7], [sflag:$0x1], $0x8, s11, s8, $0xb8;
	[tilespmem:$0xE300] =	vst v63  }
0x17: {  	s11 =	smov.u32 s9;
	s7 =	smov.u32 s10;
	p0 =	sne.s32 s9, $0x6200  }
.Ltmp0:
0x18: {  	s9 =	sadd.s32 $0x200, s9;
	(pc) =	sbr.rel @p0 .LBB2_1-.Ltmp0, $2  }
0x19: {  	_ =	sdelay $0x2  }
0x1a: {  	s10 =	sadd.s32 $0x400, s10;
	s11 =	sshra.s32 s11, $0x2  }
0x1b: {  	[spmem:s2] =	stream.indirect.scatter.add.f32 [tilespmem:s7], [sflag:$0x1], $0x8, s11, s8, $0xb8;
	[tilespmem:$0xE300] =	vst v63  }
0x1c: {  	s29 =	simm.s32 $0x1  }
0x1d: {  	_ =	swait.ge [sflag:s29], $0xC800  }
0x1e: {  	[sflag:s29] =	ssyncset.done $0x0  }
0x1f: {  	[sflag:s29] =	ssyncadd.s32 $0xFFFF3800  }
0x20: {  	s30 =	sadd.s32 s6, s3;
	s31 =	simm.s32 $0x2;
	[bflag:$0x0] =	sbarrier.arrive $0xFFFF  }
0x21: {  	[hbm:s30], [sflag:s4] =	dma.local [spmem:s5], $0x40  }
0x22: {  	_ =	swait.ge [sflag:s31], $0x40  }
0x23: {  	[sflag:s31] =	ssyncset.done $0x0  }
0x24: {  	[sflag:s31] =	ssyncadd.s32 $0xFFFFFFC0  }
0x25: {  	_ =	sfence.sel $0x180000  }
0x26: {  	[bflag:$0x0] =	sbarrier.arrive $0xFFFF  }
0x27: {  	p0 =	sne.s32 s1, $0x0;
	_ =	strace $0x90000047  }
0x28: {  	s0 =	sadd.s32 @!p0 $0x100000, s0;
	[bflag:$0x2] =	sbarrier.arrive $0xFFFF  }
0x29: {  	[sflag:s0] =	ssyncadd.tile.s32 @!p0 $0x1;
	_ =	shalt  }
.Lfunc_end2:
_tile_overlayer_lowered:
.L_overlay_start_2:
0x2a: {  	(tag) =	ssettag $0x2  }
0x2b: {  	s0 =	rddreg [dreg:$0x0];
	s2 =	stileid.u32  }
0x2c: {  	s1 =	rddreg [dreg:$0x1];
	p0 =	sne.s32 s2, $0x0  }
0x2d: {  	s3 =	rddreg [dreg:$0x2];
	[bflag:$0x3] =	sbarrier.arrive $0xFFFF;
	s2 =	simm.s32 @!p0 $0x1C02  }
0x2e: {  	[timem:s3], [sflag:s2] =	dma.local @!p0 [hbm:s0], s1  }
0x2f: {  	s0 =	simm.s32 @!p0 $0x2  }
0x30: {  	_ =	swait.ge @!p0 [sflag:s0], s1  }
0x31: {  	s1 =	ssub.s32 @!p0 $0x0, s1;
	[sflag:s0] =	ssyncset.done @!p0 $0x0  }
0x32: {  	[sflag:s0] =	ssyncadd.s32 @!p0 s1  }
0x33: {  	[bflag:$0x3] =	sbarrier.arrive $0xFFFF  }
0x34: {  	_ =	shalt  }

</sc_bundles>
